<compile_context>
chip_gen: v7x
topology: tpu7x:2x2x1
jax: 0.10.2.dev20260603
libtpu: 0.0.44.dev20260713+nightly
codegen_flags: <defaults>
</compile_context>

<pallas_src>
import numpy as np
import jax
import jax.numpy as jnp
from jax import lax
from jax.experimental import pallas as pl
from jax.experimental.pallas import tpu as pltpu
from jax.experimental.pallas import tpu_sc as plsc

IN_DIM = 256
OUT_DIM = 256
GRID_SIZE = 16

_KNOTS = np.linspace(-1.0, 1.0, GRID_SIZE).astype(np.float32)
_INV_H = np.zeros((GRID_SIZE, 1), np.float32)
_INV_H[:-1, 0] = 1.0 / (_KNOTS[1:] - _KNOTS[:-1] + 1e-8)
_SCALE = np.float32((GRID_SIZE - 1) / 2.0)

_SC_ROWS = 65536
_NC, _NS, _L = 2, 16, 16
_NW = _NC * _NS


def _tc_fused_kernel(x_ref, vt_ref, invh_ref, knots_ref, wt_ref, b_ref, o_ref):
    vt = vt_ref[...]
    vt1 = pltpu.roll(vt, shift=GRID_SIZE - 1, axis=0)
    slope = (vt1 - vt) * invh_ref[...]
    icept = vt - knots_ref[...] * slope

    xb = jnp.clip(x_ref[...], -1.0, 1.0)
    u = jnp.clip((xb + 1.0) * _SCALE, 0.0, float(GRID_SIZE - 2))
    lo = u < 8.0
    s = u.astype(jnp.int32)
    s7 = jnp.bitwise_and(s, 7)
    a = jnp.where(
        lo,
        jnp.take_along_axis(icept[0:8, :], s7, axis=0, mode="promise_in_bounds"),
        jnp.take_along_axis(icept[8:16, :], s7, axis=0, mode="promise_in_bounds"),
    )
    b = jnp.where(
        lo,
        jnp.take_along_axis(slope[0:8, :], s7, axis=0, mode="promise_in_bounds"),
        jnp.take_along_axis(slope[8:16, :], s7, axis=0, mode="promise_in_bounds"),
    )
    acc = a + b * xb

    o_ref[...] = (
        jnp.dot(acc, wt_ref[...], preferred_element_type=jnp.float32)
        + b_ref[...]
    )


def _tc_matmul_kernel(y_ref, wt_ref, b_ref, o_ref):
    o_ref[...] = (
        jnp.dot(y_ref[...], wt_ref[...], preferred_element_type=jnp.float32)
        + b_ref[...]
    )


def _tc_fused(x, vt, invh, knots, wt, bias, tb):
    nb, d = x.shape
    return pl.pallas_call(
        _tc_fused_kernel,
        grid=(nb // tb,),
        in_specs=[
            pl.BlockSpec((tb, d), lambda i: (i, 0)),
            pl.BlockSpec((GRID_SIZE, d), lambda i: (0, 0)),
            pl.BlockSpec((GRID_SIZE, 1), lambda i: (0, 0)),
            pl.BlockSpec((GRID_SIZE, 1), lambda i: (0, 0)),
            pl.BlockSpec((d, OUT_DIM), lambda i: (0, 0)),
            pl.BlockSpec((1, OUT_DIM), lambda i: (0, 0)),
        ],
        out_specs=pl.BlockSpec((tb, OUT_DIM), lambda i: (i, 0)),
        out_shape=jax.ShapeDtypeStruct((nb, OUT_DIM), jnp.float32),
        compiler_params=pltpu.CompilerParams(
            dimension_semantics=("parallel",),
        ),
    )(x, vt, invh, knots, wt, bias)


def _tc_matmul(y, wt, bias, tb):
    nb, d = y.shape
    return pl.pallas_call(
        _tc_matmul_kernel,
        grid=(nb // tb,),
        in_specs=[
            pl.BlockSpec((tb, d), lambda i: (i, 0)),
            pl.BlockSpec((d, OUT_DIM), lambda i: (0, 0)),
            pl.BlockSpec((1, OUT_DIM), lambda i: (0, 0)),
        ],
        out_specs=pl.BlockSpec((tb, OUT_DIM), lambda i: (i, 0)),
        out_shape=jax.ShapeDtypeStruct((nb, OUT_DIM), jnp.float32),
        compiler_params=pltpu.CompilerParams(
            dimension_semantics=("parallel",),
        ),
    )(y, wt, bias)


def _sc_interp(x_flat, icept_flat, slope_flat):
    n = x_flat.shape[0]
    per_w = n // _NW
    ch = min(32768, per_w)
    nchunk = per_w // ch
    nvec = ch // _L

    mesh = plsc.VectorSubcoreMesh(core_axis_name="c", subcore_axis_name="s")

    def body(x_hbm, ic_hbm, sl_hbm, y_hbm, xv, yv, ic_v, sl_v):
        wid = lax.axis_index("s") * _NC + lax.axis_index("c")
        pltpu.sync_copy(ic_hbm, ic_v)
        pltpu.sync_copy(sl_hbm, sl_v)
        diota = lax.iota(jnp.int32, _L) * GRID_SIZE
        base = wid * per_w

        def chunk_body(k, carry):
            off = base + k * ch
            pltpu.sync_copy(x_hbm.at[pl.ds(off, ch)], xv)

            def vec_body(i, c2):
                x16 = xv[pl.ds(i * _L, _L)]
                xc = jnp.minimum(jnp.maximum(x16, -1.0), 1.0)
                u = (xc + 1.0) * _SCALE
                si = jnp.minimum(u.astype(jnp.int32), GRID_SIZE - 2)
                dblk = lax.rem(i, IN_DIM // _L) * (_L * GRID_SIZE)
                idx = (diota + dblk) + si
                a = plsc.load_gather(ic_v, [idx])
                b = plsc.load_gather(sl_v, [idx])
                yv[pl.ds(i * _L, _L)] = a + b * xc
                return c2

            lax.fori_loop(0, nvec, vec_body, 0)
            pltpu.sync_copy(yv, y_hbm.at[pl.ds(off, ch)])
            return carry

        lax.fori_loop(0, nchunk, chunk_body, 0)

    f = pl.kernel(
        body,
        out_type=jax.ShapeDtypeStruct((n,), jnp.float32),
        mesh=mesh,
        compiler_params=pltpu.CompilerParams(needs_layout_passes=False),
        scratch_types=[
            pltpu.VMEM((ch,), jnp.float32),
            pltpu.VMEM((ch,), jnp.float32),
            pltpu.VMEM((IN_DIM * GRID_SIZE,), jnp.float32),
            pltpu.VMEM((IN_DIM * GRID_SIZE,), jnp.float32),
        ],
    )
    return f(x_flat, icept_flat, slope_flat)


@jax.jit
def kernel(x, values, mix_w, mix_b):
    B, D = x.shape
    vt = values.T
    wt = mix_w.T
    bias = mix_b.reshape(1, OUT_DIM)
    invh = jnp.asarray(_INV_H)
    knots = jnp.asarray(_KNOTS[:, None])

    outs = []
    tc_rows = B - _SC_ROWS
    if tc_rows:
        outs.append(_tc_fused(x[:tc_rows], vt, invh, knots, wt, bias,
                              min(8192, tc_rows)))
    if _SC_ROWS:
        slope_t = (vt[1:, :] - vt[:-1, :]) * invh[:-1]
        icept_t = vt[:-1, :] - knots[:-1] * slope_t
        pad = jnp.zeros((1, D), jnp.float32)
        slope_f = jnp.concatenate([slope_t, pad], 0).T.reshape(-1)
        icept_f = jnp.concatenate([icept_t, pad], 0).T.reshape(-1)
        y = _sc_interp(x[tc_rows:].reshape(-1), icept_f, slope_f)
        outs.append(_tc_matmul(y.reshape(_SC_ROWS, D), wt, bias, 8192))
    return outs[0] if len(outs) == 1 else jnp.concatenate(outs, axis=0)

# --- scband reference (transcript-rebuilt; emitter-appended) ---
"""Pipeline reference for scband-simple-kanlayer-80367428042826 (READ-ONLY COPY).

The authoritative reference and input builder live on the scoring server;
editing this copy changes nothing except your own understanding.
"""

import jax, jax.numpy as jnp
import numpy as np

IN_DIM = 256
OUT_DIM = 256
GRID_SIZE = 16
B = 65536


def setup_inputs(seed: int = 0) -> dict:
    key = jax.random.key(seed)
    k1, k2, k3, k4 = jax.random.split(key, 4)
    x = jax.random.normal(k1, (B, IN_DIM), dtype=jnp.float32)
    # learned params: spline values (init as small random instead of zeros so the
    # computation is non-degenerate), and the linear mixing layer
    values = jax.random.normal(k2, (IN_DIM, GRID_SIZE), dtype=jnp.float32) * 0.1
    bound = 1.0 / np.sqrt(IN_DIM)
    mix_w = jax.random.uniform(k3, (OUT_DIM, IN_DIM), dtype=jnp.float32, minval=-bound, maxval=bound)
    mix_b = jax.random.uniform(k4, (OUT_DIM,), dtype=jnp.float32, minval=-bound, maxval=bound)
    return {"x": x, "values": values, "mix_w": mix_w, "mix_b": mix_b}


def reference(x, values, mix_w, mix_b):
    knots = jnp.linspace(-1.0, 1.0, GRID_SIZE).astype(jnp.float32)
    G = GRID_SIZE
    x = jnp.clip(x, -1.0, 1.0)
    B_, D = x.shape
    # torch.searchsorted(knots, x) with right=False == jnp.searchsorted side='left'
    idx = jnp.searchsorted(knots, x, side='left')
    idx = jnp.clip(idx, 1, G - 1)
    x0 = knots[idx - 1]
    x1 = knots[idx]
    dim_idx = jnp.arange(D)[None, :]
    v0 = values[dim_idx, idx - 1]
    v1 = values[dim_idx, idx]
    t = (x - x0) / (x1 - x0 + 1e-08)
    y = v0 + t * (v1 - v0)
    return y @ mix_w.T + mix_b

if __name__ == "__main__":
    import jax
    _d = setup_inputs()
    print(jax.jit(kernel)(*tuple(_d.values())))

</pallas_src>

<mosaic_0001>
#map = affine_map<(d0, d1) -> (0)>
module attributes {stable_mosaic.version = 14 : i64} {
  func.func @body(%arg0: i32, %arg1: i32, %arg2: memref<16777216xf32, #tpu.memory_space<hbm>>, %arg3: memref<4096xf32, #tpu.memory_space<hbm>>, %arg4: memref<4096xf32, #tpu.memory_space<hbm>>, %arg5: memref<16777216xf32, #tpu.memory_space<hbm>>, %arg6: memref<32768xf32, #tpu.memory_space<vmem>>, %arg7: memref<32768xf32, #tpu.memory_space<vmem>>, %arg8: memref<4096xf32, #tpu.memory_space<vmem>>, %arg9: memref<4096xf32, #tpu.memory_space<vmem>>) attributes {dimension_semantics = [#tpu.dimension_semantics<core_parallel>, #tpu.dimension_semantics<subcore_parallel>], iteration_bounds = array<i64: 2, 16>, scalar_prefetch = 0 : i64, scratch_operands = 4 : i64, tpu.core_type = #tpu.core_type<sc_vector_subcore>, window_params = [{transform_indices = #map}, {transform_indices = #map}, {transform_indices = #map}, {transform_indices = #map}]} {
    %mul3A = arith.constant 2 : i32
    %mul3A_0 = arith.muli %arg1, %mul3A : i32
    %add3A = arith.addi %mul3A_0, %arg0 : i32
    "tpu.region"() ({
      %run_scoped3A = tpu.sem_alloc : memref<!tpu.dma_semaphore, #tpu.memory_space<semaphore_mem>>
      tpu.enqueue_dma source(%arg3 : memref<4096xf32, #tpu.memory_space<hbm>>) target(%arg8 : memref<4096xf32, #tpu.memory_space<vmem>>) target_semaphore(%run_scoped3A : memref<!tpu.dma_semaphore, #tpu.memory_space<semaphore_mem>>)
      tpu.wait_dma2 semaphore(%run_scoped3A : memref<!tpu.dma_semaphore, #tpu.memory_space<semaphore_mem>>) src(%arg3 : memref<4096xf32, #tpu.memory_space<hbm>>) dst(%arg8 : memref<4096xf32, #tpu.memory_space<vmem>>)
      tpu.yield
    }) : () -> ()
    "tpu.region"() ({
      %run_scoped3A = tpu.sem_alloc : memref<!tpu.dma_semaphore, #tpu.memory_space<semaphore_mem>>
      tpu.enqueue_dma source(%arg4 : memref<4096xf32, #tpu.memory_space<hbm>>) target(%arg9 : memref<4096xf32, #tpu.memory_space<vmem>>) target_semaphore(%run_scoped3A : memref<!tpu.dma_semaphore, #tpu.memory_space<semaphore_mem>>)
      tpu.wait_dma2 semaphore(%run_scoped3A : memref<!tpu.dma_semaphore, #tpu.memory_space<semaphore_mem>>) src(%arg4 : memref<4096xf32, #tpu.memory_space<hbm>>) dst(%arg9 : memref<4096xf32, #tpu.memory_space<vmem>>)
      tpu.yield
    }) : () -> ()
    %iota3A = tpu.iota {dimensions = array<i32: 0>} : vector<16xi32>
    %mul3A_1 = arith.constant 16 : i32
    %mul3A_2 = vector.broadcast %mul3A_1 : i32 to vector<16xi32>
    %mul3A_3 = arith.muli %iota3A, %mul3A_2 : vector<16xi32>
    %mul3A_4 = arith.constant 524288 : i32
    %mul3A_5 = arith.muli %add3A, %mul3A_4 : i32
    %scan3A = arith.constant 0 : i32
    %scan3A_6 = arith.constant 0 : i32
    %scan3A_7 = arith.constant 16 : i32
    %scan3A_8 = arith.addi %scan3A_6, %scan3A_7 : i32
    %scan3A_9 = arith.constant 1 : i32
    scf.for %scan3A_11 = %scan3A_6 to %scan3A_8 step %scan3A_9  : i32 {
      %mul3A_12 = arith.constant 32768 : i32
      %mul3A_13 = arith.muli %scan3A_11, %mul3A_12 : i32
      %add3A_14 = arith.addi %mul3A_5, %mul3A_13 : i32
      "tpu.region"() ({
        %run_scoped3A = tpu.sem_alloc : memref<!tpu.dma_semaphore, #tpu.memory_space<semaphore_mem>>
        %dma_start3A = tpu.memref_slice %arg2[%add3A_14] : memref<16777216xf32, #tpu.memory_space<hbm>> -> memref<32768xf32, #tpu.memory_space<hbm>>
        %dma_start3A_21 = tpu.memref_slice %arg2[%add3A_14] : memref<16777216xf32, #tpu.memory_space<hbm>> -> memref<32768xf32, #tpu.memory_space<hbm>>
        tpu.enqueue_dma source(%dma_start3A_21 : memref<32768xf32, #tpu.memory_space<hbm>>) target(%arg6 : memref<32768xf32, #tpu.memory_space<vmem>>) target_semaphore(%run_scoped3A : memref<!tpu.dma_semaphore, #tpu.memory_space<semaphore_mem>>)
        %dma_wait3A = tpu.memref_slice %arg2[%add3A_14] : memref<16777216xf32, #tpu.memory_space<hbm>> -> memref<32768xf32, #tpu.memory_space<hbm>>
        %dma_wait3A_22 = tpu.memref_slice %arg2[%add3A_14] : memref<16777216xf32, #tpu.memory_space<hbm>> -> memref<32768xf32, #tpu.memory_space<hbm>>
        tpu.wait_dma2 semaphore(%run_scoped3A : memref<!tpu.dma_semaphore, #tpu.memory_space<semaphore_mem>>) src(%dma_wait3A_22 : memref<32768xf32, #tpu.memory_space<hbm>>) dst(%arg6 : memref<32768xf32, #tpu.memory_space<vmem>>)
        tpu.yield
      }) : () -> ()
      %scan3A_15 = arith.constant 0 : i32
      %scan3A_16 = arith.constant 0 : i32
      %scan3A_17 = arith.constant 2048 : i32
      %scan3A_18 = arith.addi %scan3A_16, %scan3A_17 : i32
      %scan3A_19 = arith.constant 1 : i32
      scf.for %scan3A_21 = %scan3A_16 to %scan3A_18 step %scan3A_19  : i32 {
        %mul3A_22 = arith.constant 16 : i32
        %mul3A_23 = arith.muli %scan3A_21, %mul3A_22 : i32
        %get3A = arith.index_cast %mul3A_23 : i32 to index
        %get3A_24 = tpu.vector_load %arg6[%get3A] {strides = array<i32>} : memref<32768xf32, #tpu.memory_space<vmem>>, vector<16xf32>,
        %max3A = arith.constant -1.000000e+00 : f32
        %max3A_25 = vector.broadcast %max3A : f32 to vector<16xf32>
        %max3A_26 = arith.maximumf %get3A_24, %max3A_25 : vector<16xf32>
        %min3A = arith.constant 1.000000e+00 : f32
        %min3A_27 = vector.broadcast %min3A : f32 to vector<16xf32>
        %min3A_28 = arith.minimumf %max3A_26, %min3A_27 : vector<16xf32>
        %add3A_29 = arith.constant 1.000000e+00 : f32
        %add3A_30 = vector.broadcast %add3A_29 : f32 to vector<16xf32>
        %add3A_31 = arith.addf %min3A_28, %add3A_30 : vector<16xf32>
        %mul3A_32 = arith.constant 7.500000e+00 : f32
        %mul3A_33 = vector.broadcast %mul3A_32 : f32 to vector<16xf32>
        %mul3A_34 = arith.mulf %add3A_31, %mul3A_33 : vector<16xf32>
        %convert_element_type3A = arith.fptosi %mul3A_34 : vector<16xf32> to vector<16xi32>
        %min3A_35 = arith.constant 14 : i32
        %min3A_36 = vector.broadcast %min3A_35 : i32 to vector<16xi32>
        %min3A_37 = arith.minsi %convert_element_type3A, %min3A_36 : vector<16xi32>
        %rem3A = arith.constant 16 : i32
        %rem3A_38 = arith.remsi %scan3A_21, %rem3A : i32
        %mul3A_39 = arith.constant 256 : i32
        %mul3A_40 = arith.muli %rem3A_38, %mul3A_39 : i32
        %add3A_41 = vector.broadcast %mul3A_40 : i32 to vector<16xi32>
        %add3A_42 = arith.addi %mul3A_3, %add3A_41 : vector<16xi32>
        %add3A_43 = arith.addi %add3A_42, %min3A_37 : vector<16xi32>
        %gather3A = tpu.vector_load_idx %arg8[%add3A_43] : memref<4096xf32, #tpu.memory_space<vmem>>[vector<16xi32>], vector<16xf32>,
        %gather3A_44 = tpu.vector_load_idx %arg9[%add3A_43] : memref<4096xf32, #tpu.memory_space<vmem>>[vector<16xi32>], vector<16xf32>,
        %mul3A_45 = arith.mulf %gather3A_44, %min3A_28 : vector<16xf32>
        %add3A_46 = arith.addf %gather3A, %mul3A_45 : vector<16xf32>
        %mul3A_47 = arith.constant 16 : i32
        %mul3A_48 = arith.muli %scan3A_21, %mul3A_47 : i32
        %swap3A = arith.index_cast %mul3A_48 : i32 to index
        %swap3A_49 = tpu.vector_load %arg7[%swap3A] {strides = array<i32>} : memref<32768xf32, #tpu.memory_space<vmem>>, vector<16xf32>,
        tpu.vector_store %arg7[%swap3A], %add3A_46 {strides = array<i32>} : memref<32768xf32, #tpu.memory_space<vmem>>, vector<16xf32>,
      }
      %scan3A_20 = arith.constant 2048 : i32
      "tpu.region"() ({
        %run_scoped3A = tpu.sem_alloc : memref<!tpu.dma_semaphore, #tpu.memory_space<semaphore_mem>>
        %dma_start3A = tpu.memref_slice %arg5[%add3A_14] : memref<16777216xf32, #tpu.memory_space<hbm>> -> memref<32768xf32, #tpu.memory_space<hbm>>
        %dma_start3A_21 = tpu.memref_slice %arg5[%add3A_14] : memref<16777216xf32, #tpu.memory_space<hbm>> -> memref<32768xf32, #tpu.memory_space<hbm>>
        tpu.enqueue_dma source(%arg7 : memref<32768xf32, #tpu.memory_space<vmem>>) target(%dma_start3A_21 : memref<32768xf32, #tpu.memory_space<hbm>>) target_semaphore(%run_scoped3A : memref<!tpu.dma_semaphore, #tpu.memory_space<semaphore_mem>>)
        %dma_wait3A = tpu.memref_slice %arg5[%add3A_14] : memref<16777216xf32, #tpu.memory_space<hbm>> -> memref<32768xf32, #tpu.memory_space<hbm>>
        %dma_wait3A_22 = tpu.memref_slice %arg5[%add3A_14] : memref<16777216xf32, #tpu.memory_space<hbm>> -> memref<32768xf32, #tpu.memory_space<hbm>>
        tpu.wait_dma2 semaphore(%run_scoped3A : memref<!tpu.dma_semaphore, #tpu.memory_space<semaphore_mem>>) src(%arg7 : memref<32768xf32, #tpu.memory_space<vmem>>) dst(%dma_wait3A_22 : memref<32768xf32, #tpu.memory_space<hbm>>)
        tpu.yield
      }) : () -> ()
    }
    %scan3A_10 = arith.constant 16 : i32
    return
  }
}

module attributes {stable_mosaic.version = 14 : i64} {
  func.func @_tc_matmul_kernel(%arg0: i32, %arg1: memref<8192x256xf32, #tpu.memory_space<vmem>>, %arg2: memref<256x256xf32, #tpu.memory_space<vmem>>, %arg3: memref<1x256xf32, #tpu.memory_space<vmem>>, %arg4: memref<8192x256xf32, #tpu.memory_space<vmem>>) attributes {dimension_semantics = [#tpu.dimension_semantics<parallel>], iteration_bounds = array<i64: 8>, scalar_prefetch = 0 : i64, scratch_operands = 0 : i64, tpu.core_type = #tpu.core_type<tc>, window_params = [{transform_indices = @transform_0, window_bounds = array<i64: 8192, 256>}, {pipeline_mode = #tpu.pipeline_mode<synchronous>, transform_indices = @transform_1, window_bounds = array<i64: 256, 256>}, {pipeline_mode = #tpu.pipeline_mode<synchronous>, transform_indices = @transform_2, window_bounds = array<i64: 1, 256>}, {transform_indices = @transform_3, window_bounds = array<i64: 8192, 256>}]} {
    %get3A = arith.constant 0 : index
    %get3A_0 = arith.constant 0 : index
    %get3A_1 = vector.load %arg1[%get3A, %get3A_0] : memref<8192x256xf32, #tpu.memory_space<vmem>>, vector<8192x256xf32>
    %get3A_2 = arith.constant 0 : index
    %get3A_3 = arith.constant 0 : index
    %get3A_4 = vector.load %arg2[%get3A_2, %get3A_3] : memref<256x256xf32, #tpu.memory_space<vmem>>, vector<256x256xf32>
    %dot_general3A = arith.constant dense<0.000000e+00> : vector<8192x256xf32>
    %dot_general3A_5 = tpu.matmul %get3A_1, %get3A_4, %dot_general3A {dimension_numbers = #tpu.dot_dimension_numbers<[1], [0], [0], [1], [0, 0, 1, 1], [], []>, transpose_lhs_hint = false} : vector<8192x256xf32>, vector<256x256xf32>, vector<8192x256xf32> -> vector<8192x256xf32>
    %get3A_6 = arith.constant 0 : index
    %get3A_7 = arith.constant 0 : index
    %get3A_8 = vector.load %arg3[%get3A_6, %get3A_7] : memref<1x256xf32, #tpu.memory_space<vmem>>, vector<1x256xf32>
    %add3A = vector.broadcast %get3A_8 : vector<1x256xf32> to vector<8192x256xf32>
    %add3A_9 = arith.addf %dot_general3A_5, %add3A : vector<8192x256xf32>
    %swap3A = arith.constant 0 : index
    %swap3A_10 = arith.constant 0 : index
    %swap3A_11 = vector.load %arg4[%swap3A, %swap3A_10] : memref<8192x256xf32, #tpu.memory_space<vmem>>, vector<8192x256xf32>
    tpu.vector_store %arg4[%swap3A, %swap3A_10], %add3A_9 {strides = array<i32>} : memref<8192x256xf32, #tpu.memory_space<vmem>>, vector<8192x256xf32>,
    return
  }
  func.func @transform_0(%arg0: i32) -> (i32, i32) {
    %c0_i32 = arith.constant 0 : i32
    %c0_i32_0 = arith.constant 0 : i32
    return %arg0, %c0_i32 : i32, i32
  }
  func.func @transform_1(%arg0: i32) -> (i32, i32) {
    %c0_i32 = arith.constant 0 : i32
    %c0_i32_0 = arith.constant 0 : i32
    %c0_i32_1 = arith.constant 0 : i32
    return %c0_i32, %c0_i32_0 : i32, i32
  }
  func.func @transform_2(%arg0: i32) -> (i32, i32) {
    %c0_i32 = arith.constant 0 : i32
    %c0_i32_0 = arith.constant 0 : i32
    %c0_i32_1 = arith.constant 0 : i32
    return %c0_i32, %c0_i32_0 : i32, i32
  }
  func.func @transform_3(%arg0: i32) -> (i32, i32) {
    %c0_i32 = arith.constant 0 : i32
    %c0_i32_0 = arith.constant 0 : i32
    return %arg0, %c0_i32 : i32, i32
  }
}

</mosaic_0001>

<sc_bundles>
// kernel: kernel.4.cloned.1.call-start
scs
__scs_entry_jumppad:
0x0: {  	(pc) =	sbr.rel $0x88, $3  }
0x1: {  	(tag) =	ssettag $0x0;
	lr =	simm.s32 $0x1  }
0x2: {  	[smem:$0x3F9D] =	sst lr;
	_ =	strace $0xD0000000  }
0x3: {  	_ = 	snop  }
0x4: {  	_ = 	snop  }
0x5: {  	_ = 	snop  }
0x6: {  	_ = 	snop  }
0x7: {  	_ = 	snop  }
__scs_overlays_trampoline_lowered:
0x8: {  	[smem:$0x3FAC] =	sst s0  }
0x9: {  	[smem:$0x3FAD] =	sst s1  }
0xa: {  	[smem:$0x3FAE] =	sst s2  }
0xb: {  	[smem:$0x3FAF] =	sst s3  }
0xc: {  	[smem:$0x3FB0] =	sst s4  }
0xd: {  	[smem:$0x3FB1] =	sst s5  }
0xe: {  	[smem:$0x3FB2] =	sst s6  }
0xf: {  	[smem:$0x3FB3] =	sst s7  }
0x10: {  	[smem:$0x3FB4] =	sst s8  }
0x11: {  	[smem:$0x3FB5] =	sst s9;
	s0 =	simm.s32 @!p0 $0x0  }
0x12: {  	s1 =	sld [smem:$0x3F9B];
	s0 =	simm.s32 @p0 $0x1  }
0x13: {  	[smem:$0x3FB6] =	sst s0;
	s0 =	simm.s32 @!p1 $0x0  }
0x14: {  	s2 =	sld [smem:$0x3F9A];
	s0 =	simm.s32 @p1 $0x1  }
0x15: {  	[smem:$0x3FB7] =	sst s0;
	s0 =	simm.s32 @!p2 $0x0  }
0x16: {  	s3 =	sld [smem:$0x3FDB];
	s0 =	simm.s32 @p2 $0x1  }
0x17: {  	s4 =	simm.s32 $0x1BF5;
	[smem:$0x3FB9] =	sst s0  }
0x18: {  	s0 =	sld [smem:$0x3F9C];
	_ =	swait.ge [sflag:s4], $0x0  }
0x19: {  	s7 =	sld [smem:$0x3F9D]  }
0x1a: {  	s8 =	sadd.s32 $0xFFFFE003, lr  }
0x1b: {  	s9 =	sadd.s32 $0xFFFFFEF7, lr;
	s5 =	simm.s32 $0xFFFFFFFF;
	p2 =	slt.u32 s8, $0xFFFFF086  }
0x1c: {  	p1 =	slt.u32 s9, $0xF7A;
	s5 =	simm.s32 @!p2 $0x0  }
0x1d: {  	s5 =	simm.s32 @p1 $0x1;
	p0 =	seq.s32 s7, s2  }
0x1e: {  	s7 =	smul.u32 @!p0 $0xF7A, s2;
	p2 =	seq.s32 @!p0 s5, $0x0  }
0x1f: {  	s9 =	smul.u32 $0xF7A, s1;
	s8 =	simm.s32 @!p0 $0x1BF5;
	p2 =	por !p2, p0  }
0x20: {  	[sflag:s8] =	ssyncset.s32 @!p0 $0xFFFFF086;
	s6 =	sadd.s32 @!p0 s3, s7;
	s7 =	simm.s32 @!p0 $0x108  }
0x21: {  	s3 =	sadd.s32 s3, s9;
	s6 =	sadd.s32 @!p0 $0x88, s6;
	s7 =	simm.s32 @p2 $0x1082  }
0x22: {  	[simem:s7], [sflag:s8] =	dma.local @!p0 [hbm:s6], $0xF7A  }
0x23: {  	s9 =	sor.u32 $0xD0000000, s2;
	s6 =	simm.s32 $0x108;
	_ =	swait.ge @!p0 [sflag:s8], $0x0  }
0x24: {  	s3 =	sadd.s32 $0x88, s3;
	s6 =	simm.s32 @!p1 $0x1082;
	[sflag:s4] =	ssyncset.s32 $0xFFFFF086  }
0x25: {  	[simem:s6], [sflag:s4] =	dma.local [hbm:s3], $0xF7A  }
0x26: {  	[smem:$0x3F9D] =	sst s1;
	(tag) =	ssettag s2;
	_ =	strace s9  }
0x27: {  	s1 =	sld [smem:$0x3FAD]  }
0x28: {  	s2 =	sld [smem:$0x3FAE]  }
0x29: {  	s4 =	sld [smem:$0x3FB0]  }
0x2a: {  	p0 =	seq.s32 s5, $0x0;
	s5 =	sld [smem:$0x3FB1]  }
0x2b: {  	s6 =	sld [smem:$0x3FB2]  }
0x2c: {  	s7 =	sld [smem:$0x3FB3]  }
0x2d: {  	s3 =	simm.s32 $0x108;
	s8 =	sld [smem:$0x3FB4]  }
0x2e: {  	s3 =	simm.s32 @!p0 $0x1082;
	s9 =	sld [smem:$0x3FB5]  }
0x2f: {  	lr =	sadd.s32 s0, s3;
	s0 =	sld [smem:$0x3FAC]  }
0x30: {  	s3 =	sld [smem:$0x3FAF]  }
0x31: {  	[smem:$0x3FB8] =	sst s10  }
0x32: {  	s10 =	sld [smem:$0x3FB6];
	_ =	sdelay $0x3  }
0x33: {  	p0 =	seq.s32 s10, $0x1;
	s10 =	sld [smem:$0x3FB8];
	_ =	sdelay $0x3  }
0x34: {  	[smem:$0x3FB8] =	sst s10  }
0x35: {  	s10 =	sld [smem:$0x3FB7];
	_ =	sdelay $0x3  }
0x36: {  	p1 =	seq.s32 s10, $0x1;
	s10 =	sld [smem:$0x3FB8];
	_ =	sdelay $0x3  }
0x37: {  	[smem:$0x3FB8] =	sst s10  }
0x38: {  	s10 =	sld [smem:$0x3FB9]  }
0x39: {  	_ = 	snop;
	(pc) =	sbr.ind lr, $3  }
0x3a: {  	_ = 	snop  }
0x3b: {  	_ = 	snop  }
0x3c: {  	p2 =	seq.s32 s10, $0x1;
	s10 =	sld [smem:$0x3FB8]  }
0x3d: {  	_ =	shalt  }
0x3e: {  	_ =	shalt  }
0x3f: {  	_ =	shalt  }
0x40: {  	_ =	shalt  }
0x41: {  	_ =	shalt  }
0x42: {  	_ =	shalt  }
0x43: {  	_ =	shalt  }
0x44: {  	_ =	shalt  }
0x45: {  	_ =	shalt  }
0x46: {  	_ =	shalt  }
0x47: {  	_ =	shalt  }
0x48: {  	_ =	shalt  }
0x49: {  	_ =	shalt  }
0x4a: {  	_ =	shalt  }
0x4b: {  	_ =	shalt  }
0x4c: {  	_ =	shalt  }
0x4d: {  	_ =	shalt  }
0x4e: {  	_ =	shalt  }
0x4f: {  	_ =	shalt  }
0x50: {  	_ =	shalt  }
0x51: {  	_ =	shalt  }
0x52: {  	_ =	shalt  }
0x53: {  	_ =	shalt  }
0x54: {  	_ =	shalt  }
0x55: {  	_ =	shalt  }
0x56: {  	_ =	shalt  }
0x57: {  	_ =	shalt  }
0x58: {  	_ =	shalt  }
0x59: {  	_ =	shalt  }
0x5a: {  	_ =	shalt  }
0x5b: {  	_ =	shalt  }
0x5c: {  	_ =	shalt  }
0x5d: {  	_ =	shalt  }
0x5e: {  	_ =	shalt  }
0x5f: {  	_ =	shalt  }
0x60: {  	_ =	shalt  }
0x61: {  	_ =	shalt  }
0x62: {  	_ =	shalt  }
0x63: {  	_ =	shalt  }
0x64: {  	_ =	shalt  }
0x65: {  	_ =	shalt  }
0x66: {  	_ =	shalt  }
0x67: {  	_ =	shalt  }
0x68: {  	_ =	shalt  }
0x69: {  	_ =	shalt  }
0x6a: {  	_ =	shalt  }
0x6b: {  	_ =	shalt  }
0x6c: {  	_ =	shalt  }
0x6d: {  	_ =	shalt  }
0x6e: {  	_ =	shalt  }
0x6f: {  	_ =	shalt  }
0x70: {  	_ =	shalt  }
0x71: {  	_ =	shalt  }
0x72: {  	_ =	shalt  }
0x73: {  	_ =	shalt  }
0x74: {  	_ =	shalt  }
0x75: {  	_ =	shalt  }
0x76: {  	_ =	shalt  }
0x77: {  	_ =	shalt  }
0x78: {  	_ =	shalt  }
0x79: {  	_ =	shalt  }
0x7a: {  	_ =	shalt  }
0x7b: {  	_ =	shalt  }
0x7c: {  	_ =	shalt  }
0x7d: {  	_ =	shalt  }
0x7e: {  	_ =	shalt  }
0x7f: {  	_ =	shalt  }
0x80: {  	_ =	shalt  }
0x81: {  	_ =	shalt  }
0x82: {  	_ =	shalt  }
0x83: {  	_ =	shalt  }
0x84: {  	_ =	shalt  }
0x85: {  	_ =	shalt  }
0x86: {  	_ =	shalt  }
0x87: {  	_ =	shalt  }
.Lfunc_end0:
.L_simem_size_0:
called_computation.1_lowered:
.L_overlay_start_0:
0x88: {  	s2 =	sld [smem:$0x3FD9]  }
0x89: {  	s3 =	sld [smem:$0x3FFE];
	_ =	sdelay $0x1  }
0x8a: {  	s1 =	srdreg.scid  }
0x8b: {  	s0 =	sand.u32 $0x1, s1  }
0x8c: {  	s17 =	sshll.u32 s0, $0xA;
	s2 =	sadd.s32 s3, s2  }
0x8d: {  	s2 =	sadd.s32 s2, s17  }
0x8e: {  	[smem:$0x3FC4] =	sst s2  }
0x8f: {  	_ = 	snop  }
0x90: {  	s2 =	sld [smem:$0x3FD0];
	(tm) =	ssettm $0x1  }
0x91: {  	s18 =	sld [smem:$0x3FFB];
	_ =	sdelay $0x3  }
0x92: {  	_ =	strace s18  }
0x93: {  	s3 =	sld [smem:$0x3FFC];
	_ =	sdelay $0x3  }
0x94: {  	_ =	strace s3  }
0x95: {  	s3 =	sld [smem:$0x3FFD];
	_ =	sdelay $0x3  }
0x96: {  	_ =	strace s3  }
0x97: {  	_ =	strace $0x8FFFFFFF  }
0x98: {  	s19 =	sld [smem:$0x3FDB];
	_ =	sdelay $0x1  }
0x99: {  	s4 =	simm.s32 $_scs_section_size  }
0x9a: {  	s5 =	simm.s32 $_size__tile_overlayer_lowered;
	s6 =	simm.s32 $_tile_overlayer_lowered  }
0x9b: {  	s22 =	simm.s32 $0x1BFF;
	s21 =	sshll.u32 s6, $0x1;
	s3 =	sadd.s32 s4, s19  }
0x9c: {  	s7 =	simm.s32 $0x0;
	s20 =	sshll.u32 s5, $0x1;
	s5 =	sadd.s32 s21, s3  }
0x9d: {  	[timem:s7], [sflag:s22] =	dma.local [hbm:s5], s20  }
0x9e: {  	_ =	swait.ge [sflag:s22], s20  }
0x9f: {  	s4 =	ssub.s32 $0x0, s20;
	[sflag:s22] =	ssyncset.done $0x0  }
0xa0: {  	[sflag:s22] =	ssyncadd.s32 s4;
	_ =	sdelay $0x1  }
0xa1: {  	s23 =	simm.s32 $0x1B8B  }
0xa2: {  	_ =	swait.ge [sflag:s23], $0x1  }
0xa3: {  	[sflag:s23] =	ssyncset.done $0x0  }
0xa4: {  	s25 =	simm.s32 $0x1B8E;
	s24 =	sld [smem:$0x3FFE];
	[sflag:s23] =	ssyncadd.s32 $0xFFFFFFFF  }
0xa5: {  	s26 =	simm.s32 $execute0_lowered;
	[smem:$0x3FD2] =	sst s25  }
0xa6: {  	s5 =	sshll.u32 s26, $0x1;
	_ =	strace $0x80000049;
	[dreg:$0x1] =	wrdreg $0xFFFFFFFF  }
0xa7: {  	s28 =	simm.s32 $_size_execute0_lowered;
	s3 =	sadd.s32 s3, s5;
	[dreg:$0x0] =	wrdreg $0x0  }
0xa8: {  	s5 =	sshll.u32 s28, $0x1;
	[dreg:$0x2] =	wrdreg s3  }
0xa9: {  	[dreg:$0x3] =	wrdreg s5  }
0xaa: {  	[dreg:$0x4] =	wrdreg $0xC0  }
0xab: {  	_ =	task [dreg:s7], $0x5FFFF  }
0xac: {  	[dreg:$0x1] =	wrdreg $0xFFFFFFFF  }
0xad: {  	[dreg:$0x0] =	wrdreg $0x60  }
0xae: {  	[dreg:$0x2] =	wrdreg s24  }
0xaf: {  	[dreg:$0x3] =	wrdreg s2  }
0xb0: {  	[dreg:$0x4] =	wrdreg $0x9  }
0xb1: {  	_ =	task.clear_ibuf [dreg:s7], $0x5FFFF;
	_ =	strace $0x90000049  }
0xb2: {  	s29 =	simm.s32 $0x9;
	_ =	strace $0x8000004B  }
0xb3: {  	_ =	swait.ge [sflag:s29], $0x1  }
0xb4: {  	[sflag:s29] =	ssyncadd.s32 $0xFFFFFFFF  }
0xb5: {  	_ =	strace $0x9000004B  }
0xb6: {  	_ =	sfence  }
0xb7: {  	s30 =	sld [smem:$0x0];
	_ =	sdelay $0x2  }
0xb8: {  	s31 =	sshll.u32 s1, $0xD;
	s1 =	sshrl.u32 s1, $0x2  }
0xb9: {  	s3 =	sand.u32 $0x4000, s31;
	s1 =	sadd.s32 s1, s30  }
0xba: {  	s0 =	sor.u32 s3, s0;
	s1 =	sshll.u32 s1, $0x11  }
0xbb: {  	s0 =	sor.u32 s1, s0  }
0xbc: {  	s0 =	sadd.s32 $0x8F2B, s0  }
0xbd: {  	[sflag:s0] =	ssyncadd.remote.s32 $0x1  }
0xbe: {  	_ =	sfence.sel $0xFFFF  }
0xbf: {  	[dreg:$0x0] =	wrdreg $0xFFFFFFFF;
	(pc) =	sbr.abs _section_cstart, $3  }
0xc0: {  	[dreg:$0x1] =	wrdreg $0xFFFFFFFF  }
0xc1: {  	_ =	task.clear_ibuf [dreg:s7], $0x2FFFF;
	_ =	strace $0x9FFFFFFF  }
0xc2: {  	(tm) =	ssettm $0x7FFFFFFF  }
0xc3: {  	_ =	shalt  }
tec
execute0_lowered:
.L_overlay_start_1:
0x0: {  	(tag) =	ssettag $0x1  }
0x1: {  	s6 =	rddreg [dreg:$0x0]  }
0x2: {  	s1 =	rddreg [dreg:$0x1]  }
0x3: {  	s0 =	rddreg [dreg:$0x2]  }
0x4: {  	s2 =	simm.s32 $0x0;
	s3 =	srdreg.scid;
	s11 =	simm.s32 $0x11000  }
0x5: {  	s12 =	simm.s32 $0x8000;
	s13 =	simm.s32 $0x0;
	[smem:$0x7FF] =	sst s2  }
0x6: {  	s4 =	sadd.s32 $0x1600, s6;
	s7 =	sand.u32 $0x1, s3;
	s5 =	sadd.s32 $0x201800, s6  }
0x7: {  	s3 =	stileid.u32;
	s6 =	sadd.s32 $0x201600, s6;
	s8 =	ssub.s32 $0x2, s7  }
0x8: {  	s10 =	sshll.u32 s3, $0x11;
	s7 =	sshll.u32 s7, $0x10;
	s9 =	sshrl.u32 s8, $0x1  }
0x9: {  	v0 =	vlaneseq.u32;
	_ =	strace $0x8000004A;
	s7 =	sor.u32 s7, s10;
	s8 =	ssub.s32 s8, s9  }
0xa: {  	v0 =	vmul.u32 $0x10, v0;
	s10 =	simm.s32 $0x1;
	s9 =	simm.s32 $0x10000;
	s8 =	smax.u32 s8, $0x1  }
.LBB2_1:
0xb: {  	[tilespmem:s9], [sflag:$0x1] =	stream.linear.gather [hbm4b:s5+s2], $0x1000, $0x38;
	[tilespmem:$0x12000] =	vst v63  }
0xc: {  	_ =	swait.ge [sflag:s10], $0x1000  }
0xd: {  	[sflag:s10] =	ssyncset.done $0x0  }
0xe: {  	[sflag:s10] =	ssyncadd.s32 $0xFFFFF000  }
0xf: {  	[tilespmem:s11], [sflag:$0x1] =	stream.linear.gather [hbm4b:s6+s2], $0x1000, $0x38;
	[tilespmem:$0x12000] =	vst v63  }
0x10: {  	_ =	swait.ge [sflag:s10], $0x1000  }
0x11: {  	[sflag:s10] =	ssyncset.done $0x0  }
0x12: {  	s14 =	simm.s32 $0x0;
	[sflag:s10] =	ssyncadd.s32 $0xFFFFF000  }
.LBB2_2:
0x13: {  	s15 =	sshll.u32 s14, $0xC  }
0x14: {  	s15 =	sadd.s32 s7, s15  }
0x15: {  	s17 =	simm.s32 $0x0;
	s16 =	sadd.s32 s4, s15  }
0x16: {  	[tilespmem:s17], [sflag:$0x1] =	stream.linear.gather [hbm4b:s16+s17], $0x8000, $0x38;
	[tilespmem:$0x12000] =	vst v63  }
0x17: {  	_ =	swait.ge [sflag:s10], $0x8000  }
0x18: {  	[sflag:s10] =	ssyncset.done $0x0  }
0x19: {  	[sflag:s10] =	ssyncadd.s32 $0xFFFF8000  }
0x1a: {  	v1 =	vld [tilespmem:s17+$0x0];
	_ =	sdelay $0x4  }
0x1b: {  	v1 =	vmax.f32 v1, $-1.000000000e+00  }
0x1c: {  	v1 =	vmin.f32 v1, $1.000000000e+00  }
0x1d: {  	v2 =	vadd.f32 $1.000000000e+00, v1;
	_ =	sdelay $0x1  }
0x1e: {  	v2 =	vmul.f32 $7.500000000e+00, v2;
	_ =	sdelay $0x1  }
0x1f: {  	v2 =	vtrunc.f32 v2  }
0x20: {  	v2 =	vcvt.f32.s32 v2;
	_ =	sdelay $0x1  }
0x21: {  	vm0 =	vlt.s32 v2, $0xE  }
0x22: {  	s31 =	sand.u32 $0xF00, s17;
	v2 =	vnsel vm0, $0xE, v2  }
0x23: {  	v2 =	vadd.s32 s31, v2  }
0x24: {  	v2 =	vadd.s32 v0, v2;
	_ =	sdelay $0x4  }
0x25: {  	v3 =	vld.idx.msk [tilespmem:v2+s11+$0x0], $0xffff;
	_ =	sdelay $0x1  }
0x26: {  	v2 =	vld.idx.msk [tilespmem:v2+s9+$0x0], $0xffff;
	_ =	sdelay $0x2  }
0x27: {  	v1 =	vmul.f32 v1, v3;
	_ =	sdelay $0x1  }
0x28: {  	v1 =	vadd.f32 v1, v2  }
0x29: {  	s16 =	simm.s32 $0x8000  }
0x2a: {  	s18 =	simm.s32 $0x10;
	[tilespmem:s16+$0x0] =	vst v1  }
0x2b: {  	s19 =	simm.s32 $0x200;
	s17 =	simm.s32 $0x100;
	v1 =	vld [tilespmem:s18+$0x0]  }
.LBB2_3:
0x2c: {  	p0 =	sne.s32 s19, $0x7FF00;
	_ =	sdelay $0x3  }
0x2d: {  	v1 =	vmax.f32 v1, $-1.000000000e+00  }
0x2e: {  	v1 =	vmin.f32 v1, $1.000000000e+00  }
0x2f: {  	v2 =	vadd.f32 $1.000000000e+00, v1;
	_ =	sdelay $0x1  }
0x30: {  	v2 =	vmul.f32 $7.500000000e+00, v2;
	_ =	sdelay $0x1  }
0x31: {  	v2 =	vtrunc.f32 v2  }
0x32: {  	v2 =	vcvt.f32.s32 v2;
	_ =	sdelay $0x1  }
0x33: {  	vm0 =	vlt.s32 v2, $0xE  }
0x34: {  	s20 =	sand.u32 $0xF00, s17;
	s17 =	smov.u32 s19;
	v2 =	vnsel vm0, $0xE, v2  }
0x35: {  	v2 =	vadd.s32 s20, v2  }
0x36: {  	v2 =	vadd.s32 v0, v2;
	_ =	sdelay $0x4  }
0x37: {  	v3 =	vld.idx.msk [tilespmem:v2+s11+$0x0], $0xffff;
	_ =	sdelay $0x1  }
0x38: {  	v2 =	vld.idx.msk [tilespmem:v2+s9+$0x0], $0xffff;
	_ =	sdelay $0x3  }
0x39: {  	v1 =	vmul.f32 v1, v3  }
.Ltmp0:
0x3a: {  	(pc) =	sbr.rel @p0 .LBB2_3-.Ltmp0, $4  }
0x3b: {  	v1 =	vadd.f32 v1, v2  }
0x3c: {  	s16 =	sadd.s32 $0x10, s16  }
0x3d: {  	s18 =	sadd.s32 $0x10, s18;
	[tilespmem:s16+$0x0] =	vst v1  }
0x3e: {  	s19 =	sadd.s32 $0x100, s19;
	v1 =	vld [tilespmem:s18+$0x0]  }
0x3f: {  	_ =	sdelay $0x3  }
0x40: {  	v1 =	vmax.f32 v1, $-1.000000000e+00  }
0x41: {  	v1 =	vmin.f32 v1, $1.000000000e+00  }
0x42: {  	v2 =	vadd.f32 $1.000000000e+00, v1;
	_ =	sdelay $0x1  }
0x43: {  	v2 =	vmul.f32 $7.500000000e+00, v2;
	_ =	sdelay $0x1  }
0x44: {  	v2 =	vtrunc.f32 v2  }
0x45: {  	v2 =	vcvt.f32.s32 v2;
	_ =	sdelay $0x1  }
0x46: {  	vm0 =	vlt.s32 v2, $0xE  }
0x47: {  	s17 =	sand.u32 $0xF00, s17;
	v2 =	vnsel vm0, $0xE, v2  }
0x48: {  	v2 =	vadd.s32 s17, v2  }
0x49: {  	v2 =	vadd.s32 v0, v2;
	_ =	sdelay $0x4  }
0x4a: {  	v3 =	vld.idx.msk [tilespmem:v2+s11+$0x0], $0xffff;
	_ =	sdelay $0x1  }
0x4b: {  	v2 =	vld.idx.msk [tilespmem:v2+s9+$0x0], $0xffff;
	_ =	sdelay $0x2  }
0x4c: {  	v1 =	vmul.f32 v1, v3;
	_ =	sdelay $0x1  }
0x4d: {  	s14 =	sadd.s32 $0x1, s14;
	v1 =	vadd.f32 v1, v2  }
0x4e: {  	s16 =	sadd.s32 $0x10, s16;
	p0 =	sne.s32 s14, $0x10  }
.Ltmp1:
0x4f: {  	s15 =	sadd.s32 s1, s15;
	[tilespmem:s16+$0x0] =	vst v1;
	(pc) =	sbr.rel @p0 .LBB2_2-.Ltmp1, $4  }
0x50: {  	[hbm4b:s15+s2] =	stream.linear.scatter [tilespmem:s12], [sflag:$0x1], $0x8000, $0x38;
	[tilespmem:$0x12000] =	vst v63  }
0x51: {  	_ =	swait.ge [sflag:s10], $0x8000  }
0x52: {  	[sflag:s10] =	ssyncset.done $0x0  }
0x53: {  	[sflag:s10] =	ssyncadd.s32 $0xFFFF8000  }
0x54: {  	s13 =	sadd.s32 $0x1, s13  }
0x55: {  	p0 =	sne.s32 s13, s8  }
.Ltmp2:
0x56: {  	_ = 	snop;
	(pc) =	sbr.rel @p0 .LBB2_1-.Ltmp2, $1  }
0x57: {  	_ =	sdelay $0x3  }
0x58: {  	_ =	sfence.sel $0x180000  }
0x59: {  	[bflag:$0x0] =	sbarrier.arrive $0xFFFF  }
0x5a: {  	p0 =	sne.s32 s3, $0x0;
	_ =	strace $0x9000004A  }
0x5b: {  	s0 =	sadd.s32 @!p0 $0x100000, s0;
	[bflag:$0x2] =	sbarrier.arrive $0xFFFF  }
0x5c: {  	[sflag:s0] =	ssyncadd.tile.s32 @!p0 $0x1;
	_ =	shalt  }
.Lfunc_end2:
_tile_overlayer_lowered:
.L_overlay_start_2:
0x5d: {  	(tag) =	ssettag $0x2  }
0x5e: {  	s0 =	rddreg [dreg:$0x0];
	s2 =	stileid.u32  }
0x5f: {  	s1 =	rddreg [dreg:$0x1];
	p0 =	sne.s32 s2, $0x0  }
0x60: {  	s3 =	rddreg [dreg:$0x2];
	[bflag:$0x3] =	sbarrier.arrive $0xFFFF;
	s2 =	simm.s32 @!p0 $0x1C01  }
0x61: {  	[timem:s3], [sflag:s2] =	dma.local @!p0 [hbm:s0], s1  }
0x62: {  	s0 =	simm.s32 @!p0 $0x1  }
0x63: {  	_ =	swait.ge @!p0 [sflag:s0], s1  }
0x64: {  	s1 =	ssub.s32 @!p0 $0x0, s1;
	[sflag:s0] =	ssyncset.done @!p0 $0x0  }
0x65: {  	[sflag:s0] =	ssyncadd.s32 @!p0 s1  }
0x66: {  	[bflag:$0x3] =	sbarrier.arrive $0xFFFF  }
0x67: {  	_ =	shalt  }

// kernel: sparse-core-data-format-call.cloned.1.call-start
scs
called_computation_lowered:
.L_overlay_start_0:
0x0: {  	s2 =	sld [smem:$0x3FD9]  }
0x1: {  	s3 =	sld [smem:$0x3FFE];
	_ =	sdelay $0x1  }
0x2: {  	s1 =	srdreg.scid  }
0x3: {  	s0 =	sand.u32 $0x1, s1  }
0x4: {  	s18 =	sshll.u32 s0, $0xA;
	s2 =	sadd.s32 s3, s2  }
0x5: {  	s2 =	sadd.s32 s2, s18  }
0x6: {  	[smem:$0x3FC4] =	sst s2  }
0x7: {  	_ = 	snop  }
0x8: {  	s2 =	sld [smem:$0x3FC9];
	(tm) =	ssettm $0x1  }
0x9: {  	s19 =	sld [smem:$0x3FFB];
	_ =	sdelay $0x3  }
0xa: {  	_ =	strace s19  }
0xb: {  	s3 =	sld [smem:$0x3FFC];
	_ =	sdelay $0x3  }
0xc: {  	_ =	strace s3  }
0xd: {  	s3 =	sld [smem:$0x3FFD];
	_ =	sdelay $0x3  }
0xe: {  	_ =	strace s3  }
0xf: {  	_ =	strace $0x8FFFFFFF  }
0x10: {  	s20 =	sld [smem:$0x3FDB];
	_ =	sdelay $0x1  }
0x11: {  	s4 =	simm.s32 $_scs_section_size  }
0x12: {  	s5 =	simm.s32 $_size__tile_overlayer_lowered;
	s6 =	simm.s32 $_tile_overlayer_lowered  }
0x13: {  	s23 =	simm.s32 $0x1BFF;
	s22 =	sshll.u32 s6, $0x1;
	s3 =	sadd.s32 s4, s20  }
0x14: {  	s7 =	simm.s32 $0x0;
	s21 =	sshll.u32 s5, $0x1;
	s5 =	sadd.s32 s22, s3  }
0x15: {  	[timem:s7], [sflag:s23] =	dma.local [hbm:s5], s21  }
0x16: {  	_ =	swait.ge [sflag:s23], s21  }
0x17: {  	s4 =	ssub.s32 $0x0, s21;
	[sflag:s23] =	ssyncset.done $0x0  }
0x18: {  	[sflag:s23] =	ssyncadd.s32 s4;
	_ =	sdelay $0x1  }
0x19: {  	s24 =	simm.s32 $0x1B8B  }
0x1a: {  	_ =	swait.ge [sflag:s24], $0x1  }
0x1b: {  	[sflag:s24] =	ssyncset.done $0x0  }
0x1c: {  	s26 =	simm.s32 $0x1B8E;
	s25 =	sld [smem:$0x3FFE];
	[sflag:s24] =	ssyncadd.s32 $0xFFFFFFFF  }
0x1d: {  	s27 =	simm.s32 $execute0_lowered;
	[smem:$0x3FD2] =	sst s26  }
0x1e: {  	s5 =	sshll.u32 s27, $0x1;
	_ =	strace $0x80000046;
	[dreg:$0x1] =	wrdreg $0xFFFFFFFF  }
0x1f: {  	s28 =	simm.s32 $_size_execute0_lowered;
	s3 =	sadd.s32 s3, s5;
	[dreg:$0x0] =	wrdreg $0x0  }
0x20: {  	s5 =	sshll.u32 s28, $0x1;
	[dreg:$0x2] =	wrdreg s3  }
0x21: {  	[dreg:$0x3] =	wrdreg s5  }
0x22: {  	[dreg:$0x4] =	wrdreg $0xC0  }
0x23: {  	_ =	task [dreg:s7], $0x5FFFF  }
0x24: {  	[dreg:$0x1] =	wrdreg $0xFFFFFFFF  }
0x25: {  	[dreg:$0x0] =	wrdreg $0x60  }
0x26: {  	[dreg:$0x2] =	wrdreg s2  }
0x27: {  	[dreg:$0x3] =	wrdreg s25  }
0x28: {  	[dreg:$0x4] =	wrdreg $0x9  }
0x29: {  	_ =	task.clear_ibuf [dreg:s7], $0x5FFFF;
	_ =	strace $0x90000046  }
0x2a: {  	s29 =	simm.s32 $0x9;
	_ =	strace $0x80000048  }
0x2b: {  	_ =	swait.ge [sflag:s29], $0x1  }
0x2c: {  	[sflag:s29] =	ssyncadd.s32 $0xFFFFFFFF  }
0x2d: {  	_ =	strace $0x90000048  }
0x2e: {  	_ =	sfence  }
0x2f: {  	s30 =	sld [smem:$0x0];
	_ =	sdelay $0x2  }
0x30: {  	s31 =	sshll.u32 s1, $0xD;
	s1 =	sshrl.u32 s1, $0x2  }
0x31: {  	s3 =	sand.u32 $0x4000, s31;
	s1 =	sadd.s32 s1, s30  }
0x32: {  	s0 =	sor.u32 s3, s0;
	s1 =	sshll.u32 s1, $0x11  }
0x33: {  	s0 =	sor.u32 s1, s0  }
0x34: {  	s0 =	sadd.s32 $0x8F2B, s0  }
0x35: {  	[sflag:s0] =	ssyncadd.remote.s32 $0x1  }
0x36: {  	_ =	sfence.sel $0xFFFF  }
0x37: {  	[dreg:$0x0] =	wrdreg $0xFFFFFFFF;
	(pc) =	sbr.abs _section_cstart, $3  }
0x38: {  	[dreg:$0x1] =	wrdreg $0xFFFFFFFF  }
0x39: {  	_ =	task.clear_ibuf [dreg:s7], $0x2FFFF;
	_ =	strace $0x9FFFFFFF  }
0x3a: {  	(tm) =	ssettm $0x7FFFFFFF  }
0x3b: {  	_ =	shalt  }
tec
execute0_lowered:
.L_overlay_start_1:
0x0: {  	(tag) =	ssettag $0x1  }
0x1: {  	s0 =	srdreg.scid  }
0x2: {  	s1 =	sshll.u32 s0, $0x4  }
0x3: {  	s2 =	rddreg [dreg:$0x0];
	s0 =	stileid.u32;
	s1 =	sand.u32 $0x10, s1  }
0x4: {  	s4 =	rddreg [dreg:$0x1];
	s7 =	simm.s32 $0x1;
	s1 =	sor.u32 s0, s1  }
0x5: {  	s8 =	simm.s32 $0x2;
	s9 =	simm.s32 $0x0;
	s3 =	sshll.u32 s1, $0x3  }
0x6: {  	s12 =	simm.s32 $0x0;
	s11 =	simm.s32 $0x0;
	s6 =	ssub.s32 $0x2000, s3  }
.Ltmp0:
0x7: {  	s4 =	sadd.s32 $0x1600, s4;
	s5 =	sand.u32 $0xF8, s6;
	(pc) =	sbr.rel .LBB1_1-.Ltmp0, $4  }
0x8: {  	s1 =	rddreg [dreg:$0x2];
	_ =	strace $0x80000047;
	p0 =	sne.s32 s5, $0x0  }
0x9: {  	s6 =	sshrl.u32 s6, $0x8;
	s5 =	simm.s32 $0x1;
	s7 =	simm.s32 @!p0 $0x0  }
0xa: {  	s10 =	smov.u32 s3;
	[sflag:s5] =	ssyncpa.u1 $0x0;
	s6 =	sadd.s32 s7, s6  }
0xb: {  	[sflag:s8] =	ssyncpa.u1 $0x0;
	s8 =	simm.s32 $0x0;
	s7 =	sadd.s32 $0x1, s6  }
.LBB1_9:
0xc: {  	s14 =	sadd.s32 $0x100, s10  }
0xd: {  	p1 =	sgt.s32 s14, $0x1FFF  }
0xe: {  	s14 =	smov.u32 @p1 s3;
	p1 =	sne.s32 s11, s7  }
.Ltmp1:
0xf: {  	p0 =	slt.u32 s11, $0x2;
	(pc) =	sbr.rel @!p1 .LBB1_10-.Ltmp1, $4  }
0x10: {  	s13 =	simm.s32 @!p0 $0x2  }
0x11: {  	s15 =	sadd.s32 $0x1, s11;
	_ =	swait.ge @!p0 [sflag:s13], $0x4000  }
0x12: {  	s12 =	smov.u32 s10;
	s9 =	sadd.s32 $0x4000, s9;
	[sflag:s13] =	ssyncset.done @!p0 $0x0  }
0x13: {  	s11 =	smov.u32 s15;
	s10 =	smov.u32 s14;
	[sflag:s13] =	ssyncadd.s32 @!p0 $0xFFFFC000  }
.LBB1_1:
0x14: {  	p0 =	sge.u32 s11, s6  }
0x15: {  	s13 =	sxor.u32 @!p0 $0xFFFFFFFF, s11  }
0x16: {  	s31 =	sadd.s32 $0xFFFFFFFF, s11;
	s14 =	sshll.u32 @!p0 s10, $0x8;
	s13 =	sshll.u32 @!p0 s13, $0xE  }
0x17: {  	s15 =	simm.s32 @!p0 $0x0;
	s14 =	sadd.s32 @!p0 s2, s14;
	s13 =	sand.u32 @!p0 $0x4000, s13  }
0x18: {  	[tilespmem:s13], [sflag:$0x1] =	stream.linear.gather @!p0 [hbm4b:s14+s15], $0x4000, $0x38;
	[tilespmem:$0x10000] =	vst v63  }
0x19: {  	p0 =	sge.u32 s31, s6  }
.Ltmp2:
0x1a: {  	_ = 	snop;
	(pc) =	sbr.rel @p0 .LBB1_9-.Ltmp2, $1  }
0x1b: {  	_ =	sdelay $0x3  }
0x1c: {  	s13 =	sshll.u32 s9, $0x2;
	_ =	swait.ge [sflag:s5], $0x4000;
	s14 =	sshll.u32 s11, $0xE  }
0x1d: {  	s16 =	simm.s32 $0x0;
	s17 =	simm.s32 $0x0;
	s15 =	sand.u32 $0x10000, s13  }
0x1e: {  	[sflag:s5] =	ssyncset.done $0x0;
	s31 =	sand.u32 $0x4000, s14;
	s14 =	sshrl.u32 s15, $0x2  }
0x1f: {  	[sflag:s5] =	ssyncadd.s32 $0xFFFFC000;
	s13 =	sor.u32 $0x8000, s31;
	s15 =	sor.u32 $0x8000, s14  }
.LBB1_3:
0x20: {  	s18 =	sshra.s32 s16, $0x2  }
0x21: {  	v0 =	vmov s18;
	_ =	sdelay $0x3  }
0x22: {  	p1 =	por $0x1, $0x1;
	s18 =	simm.s32 $0x0  }
.LBB1_4:
0x23: {  	_ = 	snop  }
0x24: {  	s19 =	sshll.u32 s18, $0xA  }
0x25: {  	s19 =	sand.u32 $0x3FFFFC00, s19  }
0x26: {  	s19 =	sadd.s32 s19, s14  }
0x27: {  	v5 =	vld.idx.msk [tilespmem:v0+s19+$0x70 ss:$0x1], $0xffff  }
0x28: {  	v6 =	vld.idx.msk [tilespmem:v0+s19+$0x10 ss:$0x1], $0xffff  }
0x29: {  	v7 =	vld.idx.msk [tilespmem:v0+s19+$0x20 ss:$0x1], $0xffff  }
0x2a: {  	s31 =	sshll.u32 s18, $0x7;
	v1 =	vld.idx.msk [tilespmem:v0+s19+$0x30 ss:$0x1], $0xffff  }
0x2b: {  	s18 =	sand.u32 $0x3FFFFF80, s31;
	v2 =	vld.idx.msk [tilespmem:v0+s19+$0x40 ss:$0x1], $0xffff  }
0x2c: {  	s18 =	sadd.s32 s18, s15;
	v3 =	vld.idx.msk [tilespmem:v0+s19+$0x50 ss:$0x1], $0xffff  }
0x2d: {  	v4 =	vld.idx.msk [tilespmem:v0+s19+$0x60 ss:$0x1], $0xffff;
	[tilespmem:v0+s18+$0x70 ss:$0x1] =	vst.idx.msk $0xffff, v5  }
0x2e: {  	v5 =	vld.idx.msk [tilespmem:v0+s19+$0x0 ss:$0x1], $0xffff;
	[tilespmem:v0+s18+$0x10 ss:$0x1] =	vst.idx.msk $0xffff, v6;
	s19 =	sadd.s32 $0x80, s19  }
0x2f: {  	p0 =	por p1, p1;
	s20 =	simm.s32 $0x6;
	[tilespmem:v0+s18+$0x20 ss:$0x1] =	vst.idx.msk $0xffff, v7;
	v6 =	vld.idx.msk [tilespmem:v0+s19+$0x70 ss:$0x1], $0xffff  }
.LBB1_5:
0x30: {  	p1 =	sne.s32 s20, $0x1;
	v7 =	vld.idx.msk [tilespmem:v0+s19+$0x10 ss:$0x1], $0xffff;
	[tilespmem:v0+s18+$0x30 ss:$0x1] =	vst.idx.msk $0xffff, v1  }
0x31: {  	v8 =	vld.idx.msk [tilespmem:v0+s19+$0x20 ss:$0x1], $0xffff;
	[tilespmem:v0+s18+$0x40 ss:$0x1] =	vst.idx.msk $0xffff, v2  }
0x32: {  	v1 =	vld.idx.msk [tilespmem:v0+s19+$0x30 ss:$0x1], $0xffff;
	[tilespmem:v0+s18+$0x50 ss:$0x1] =	vst.idx.msk $0xffff, v3  }
.Ltmp3:
0x33: {  	v2 =	vld.idx.msk [tilespmem:v0+s19+$0x40 ss:$0x1], $0xffff;
	[tilespmem:v0+s18+$0x60 ss:$0x1] =	vst.idx.msk $0xffff, v4;
	(pc) =	sbr.rel @p1 .LBB1_5-.Ltmp3, $4  }
0x34: {  	v3 =	vld.idx.msk [tilespmem:v0+s19+$0x50 ss:$0x1], $0xffff;
	[tilespmem:v0+s18+$0x0 ss:$0x1] =	vst.idx.msk $0xffff, v5;
	s18 =	sadd.s32 $0x100, s18  }
0x35: {  	v4 =	vld.idx.msk [tilespmem:v0+s19+$0x60 ss:$0x1], $0xffff;
	[tilespmem:v0+s18+$0x70 ss:$0x1] =	vst.idx.msk $0xffff, v6  }
0x36: {  	v5 =	vld.idx.msk [tilespmem:v0+s19+$0x0 ss:$0x1], $0xffff;
	[tilespmem:v0+s18+$0x10 ss:$0x1] =	vst.idx.msk $0xffff, v7;
	s19 =	sadd.s32 $0x80, s19  }
0x37: {  	s20 =	sadd.s32 $0xFFFFFFFF, s20;
	v6 =	vld.idx.msk [tilespmem:v0+s19+$0x70 ss:$0x1], $0xffff;
	[tilespmem:v0+s18+$0x20 ss:$0x1] =	vst.idx.msk $0xffff, v8  }
0x38: {  	_ =	sdelay $0x3  }
0x39: {  	[tilespmem:v0+s18+$0x30 ss:$0x1] =	vst.idx.msk $0xffff, v1  }
0x3a: {  	v1 =	vld.idx.msk [tilespmem:v0+s19+$0x10 ss:$0x1], $0xffff;
	[tilespmem:v0+s18+$0x40 ss:$0x1] =	vst.idx.msk $0xffff, v2  }
0x3b: {  	v2 =	vld.idx.msk [tilespmem:v0+s19+$0x20 ss:$0x1], $0xffff;
	[tilespmem:v0+s18+$0x50 ss:$0x1] =	vst.idx.msk $0xffff, v3  }
0x3c: {  	v61 =	vld.idx.msk [tilespmem:v0+s19+$0x40 ss:$0x1], $0xffff;
	[tilespmem:v0+s18+$0x60 ss:$0x1] =	vst.idx.msk $0xffff, v4  }
0x3d: {  	s31 =	sadd.s32 $0x100, s18;
	v62 =	vld.idx.msk [tilespmem:v0+s19+$0x50 ss:$0x1], $0xffff;
	[tilespmem:v0+s18+$0x0 ss:$0x1] =	vst.idx.msk $0xffff, v5  }
0x3e: {  	v63 =	vld.idx.msk [tilespmem:v0+s19+$0x60 ss:$0x1], $0xffff;
	[tilespmem:v0+s31+$0x70 ss:$0x1] =	vst.idx.msk $0xffff, v6  }
0x3f: {  	v3 =	vld.idx.msk [tilespmem:v0+s19+$0x30 ss:$0x1], $0xffff;
	[tilespmem:v0+s31+$0x10 ss:$0x1] =	vst.idx.msk $0xffff, v1  }
0x40: {  	v1 =	vld.idx.msk [tilespmem:v0+s19+$0x0 ss:$0x1], $0xffff;
	[tilespmem:v0+s31+$0x20 ss:$0x1] =	vst.idx.msk $0xffff, v2  }
.Ltmp4:
0x41: {  	[tilespmem:v0+s31+$0x40 ss:$0x1] =	vst.idx.msk $0xffff, v61;
	(pc) =	sbr.rel @p0 .LBB1_4-.Ltmp4, $4  }
0x42: {  	[tilespmem:v0+s31+$0x50 ss:$0x1] =	vst.idx.msk $0xffff, v62  }
0x43: {  	[tilespmem:v0+s31+$0x60 ss:$0x1] =	vst.idx.msk $0xffff, v63  }
0x44: {  	[tilespmem:v0+s31+$0x30 ss:$0x1] =	vst.idx.msk $0xffff, v3  }
0x45: {  	p1 =	por $0x0, $0x0;
	s18 =	simm.s32 $0x1;
	[tilespmem:v0+s31+$0x0 ss:$0x1] =	vst.idx.msk $0xffff, v1  }
0x46: {  	s17 =	sadd.s32 $0x1, s17  }
0x47: {  	p0 =	sne.s32 s17, $0x8  }
.Ltmp5:
0x48: {  	_ = 	snop;
	(pc) =	sbr.rel @p0 .LBB1_3-.Ltmp5, $2  }
0x49: {  	_ =	sdelay $0x2  }
0x4a: {  	s16 =	sadd.s32 $0x2000, s16  }
.Ltmp6:
0x4b: {  	(pc) =	sbr.rel .LBB1_9-.Ltmp6, $4  }
0x4c: {  	_ = 	snop  }
0x4d: {  	s12 =	sshll.u32 s12, $0x8  }
0x4e: {  	s12 =	sadd.s32 s4, s12  }
0x4f: {  	[hbm4b:s12+s8] =	stream.linear.scatter [tilespmem:s13], [sflag:$0x2], $0x4000, $0x38;
	[tilespmem:$0x10000] =	vst v63  }
.LBB1_10:
0x50: {  	_ =	sfence.sel $0x180000  }
0x51: {  	s2 =	simm.s32 $0x1;
	[bflag:$0x0] =	sbarrier.arrive $0xFFFF  }
0x52: {  	s31 =	simm.s32 $0x2;
	[sflag:s2] =	ssyncpa.u1 $0x1  }
0x53: {  	[sflag:s31] =	ssyncpa.u1 $0x1  }
0x54: {  	p0 =	sne.s32 s0, $0x0;
	_ =	strace $0x90000047  }
0x55: {  	s0 =	sadd.s32 @!p0 $0x100000, s1;
	[bflag:$0x2] =	sbarrier.arrive $0xFFFF  }
0x56: {  	[sflag:s0] =	ssyncadd.tile.s32 @!p0 $0x1;
	_ =	shalt  }
.Lfunc_end1:
_tile_overlayer_lowered:
.L_overlay_start_2:
0x57: {  	(tag) =	ssettag $0x2  }
0x58: {  	s0 =	rddreg [dreg:$0x0];
	s2 =	stileid.u32  }
0x59: {  	s1 =	rddreg [dreg:$0x1];
	p0 =	sne.s32 s2, $0x0  }
0x5a: {  	s3 =	rddreg [dreg:$0x2];
	[bflag:$0x3] =	sbarrier.arrive $0xFFFF;
	s2 =	simm.s32 @!p0 $0x1C01  }
0x5b: {  	[timem:s3], [sflag:s2] =	dma.local @!p0 [hbm:s0], s1  }
0x5c: {  	s0 =	simm.s32 @!p0 $0x1  }
0x5d: {  	_ =	swait.ge @!p0 [sflag:s0], s1  }
0x5e: {  	s1 =	ssub.s32 @!p0 $0x0, s1;
	[sflag:s0] =	ssyncset.done @!p0 $0x0  }
0x5f: {  	[sflag:s0] =	ssyncadd.s32 @!p0 s1  }
0x60: {  	[bflag:$0x3] =	sbarrier.arrive $0xFFFF  }
0x61: {  	_ =	shalt  }

</sc_bundles>
